<compile_context>
chip_gen: v7x
topology: tpu7x:2x2x1
jax: 0.10.2.dev20260603
libtpu: 0.0.44.dev20260713+nightly
codegen_flags: <defaults>
</compile_context>

<pallas_src>
import functools

import jax
import jax.numpy as jnp
from jax import lax
from jax.experimental import pallas as pl
from jax.experimental.pallas import tpu as pltpu
from jax.experimental.pallas import tpu_sc as plsc

_N = 10000
_E = 160000
_D = 256
_NPAD = 10240
_NC, _NS, _L = 2, 16, 16
_NW = _NC * _NS
_EPW = 5008
_EPAD = _NW * _EPW
_CHUNKS = _EPW // _L
_BLK = 1024


def _proj_body(x_ref, w_ref, c3_ref, at_ref, mx_ref):
    j = pl.program_id(0)
    wc = jnp.dot(w_ref[...], c3_ref[...],
                 preferred_element_type=jnp.float32,
                 precision=lax.Precision.HIGHEST)
    a_t = lax.dot_general(wc, x_ref[...], (((0,), (1,)), ((), ())),
                          preferred_element_type=jnp.float32,
                          precision=lax.Precision.HIGHEST)
    at_ref[...] = a_t
    bs = jnp.max(a_t[0, :])
    bd = jnp.max(a_t[1, :])

    @pl.when(j == 0)
    def _():
        mx_ref[0, 0] = bs
        mx_ref[0, 1] = bd

    @pl.when(j > 0)
    def _():
        mx_ref[0, 0] = jnp.maximum(mx_ref[0, 0], bs)
        mx_ref[0, 1] = jnp.maximum(mx_ref[0, 1], bd)


_proj = pl.pallas_call(
    _proj_body,
    grid=(_NPAD // _BLK,),
    in_specs=[
        pl.BlockSpec((_BLK, _D), lambda j: (j, 0)),
        pl.BlockSpec((_D, _D), lambda j: (0, 0)),
        pl.BlockSpec((_D, 8), lambda j: (0, 0)),
    ],
    out_specs=[
        pl.BlockSpec((8, _BLK), lambda j: (0, j)),
        pl.BlockSpec(block_shape=(1, 2), index_map=lambda j: (0, 0),
                     memory_space=pltpu.SMEM),
    ],
    out_shape=[
        jax.ShapeDtypeStruct((8, _NPAD), jnp.float32),
        jax.ShapeDtypeStruct((1, 2), jnp.float32),
    ],
)


_mesh = plsc.VectorSubcoreMesh(core_axis_name="c", subcore_axis_name="s",
                               num_cores=_NC, num_subcores=_NS)


@functools.partial(
    pl.kernel,
    out_type=[jax.ShapeDtypeStruct((_NW, _NPAD), jnp.float32),
              jax.ShapeDtypeStruct((_NW, _NPAD), jnp.float32)],
    mesh=_mesh,
    compiler_params=pltpu.CompilerParams(needs_layout_passes=False),
    scratch_types=[
        pltpu.VMEM((_EPW,), jnp.int32),
        pltpu.VMEM((_EPW,), jnp.int32),
        pltpu.VMEM((_NPAD,), jnp.float32),
        pltpu.VMEM((_NPAD,), jnp.float32),
        pltpu.VMEM((_NPAD,), jnp.float32),
        pltpu.VMEM((_NPAD,), jnp.float32),
        pltpu.VMEM((_NPAD,), jnp.float32),
        pltpu.VMEM((_L,), jnp.float32),
    ],
)
def _edge_kernel(src_hbm, dst_hbm, asrc_hbm, adst_hbm, p_hbm, m_hbm,
                 s_out, d_out,
                 src_v, dst_v, asrc_v, adst_v, p_v, s_v, d_v, m_v):
    wid = lax.axis_index("s") * _NC + lax.axis_index("c")
    base = wid * _EPW
    pltpu.sync_copy(src_hbm.at[pl.ds(base, _EPW)], src_v)
    pltpu.sync_copy(dst_hbm.at[pl.ds(base, _EPW)], dst_v)
    pltpu.sync_copy(asrc_hbm, asrc_v)
    pltpu.sync_copy(adst_hbm, adst_v)
    pltpu.sync_copy(p_hbm, p_v)
    pltpu.sync_copy(m_hbm, m_v)

    zero = jnp.zeros((_L,), jnp.float32)

    def _zero_body(i, carry):
        s_v[pl.ds(i * _L, _L)] = zero
        d_v[pl.ds(i * _L, _L)] = zero
        return carry

    lax.fori_loop(0, _NPAD // _L, _zero_body, 0)

    m = m_v[...]

    def _body(i, carry):
        si = src_v[pl.ds(i * _L, _L)]
        di = dst_v[pl.ds(i * _L, _L)]
        a1 = plsc.load_gather(asrc_v, [si])
        a2 = plsc.load_gather(adst_v, [di])
        pv = plsc.load_gather(p_v, [si])
        e = a1 + a2
        e = jnp.where(e >= 0.0, e, 0.2 * e)
        al = jnp.exp(e - m)
        plsc.addupdate_scatter(d_v, [di], al)
        plsc.addupdate_scatter(s_v, [di], al * pv)
        return carry

    lax.fori_loop(0, _CHUNKS, _body, 0)

    pltpu.sync_copy(s_v, s_out.at[wid])
    pltpu.sync_copy(d_v, d_out.at[wid])


def _final_body(s_ref, d_ref, c_ref, o_ref):
    s = jnp.sum(s_ref[...], axis=0)
    d = jnp.sum(d_ref[...], axis=0)
    o_ref[...] = (s / (d + 1e-16) + c_ref[0, 0])[None, :]


_final = pl.pallas_call(
    _final_body,
    in_specs=[
        pl.BlockSpec((_NW, _NPAD), lambda: (0, 0)),
        pl.BlockSpec((_NW, _NPAD), lambda: (0, 0)),
        pl.BlockSpec(block_shape=(1, 1), index_map=lambda: (0, 0),
                     memory_space=pltpu.SMEM),
    ],
    out_specs=pl.BlockSpec((1, _NPAD), lambda: (0, 0)),
    out_shape=jax.ShapeDtypeStruct((1, _NPAD), jnp.float32),
)


def kernel(patch_feats, token_feats, edge_index, W, att_src, att_dst,
           gat_bias, fc_w, fc_b):
    x = jnp.concatenate([patch_feats, token_feats], axis=0)
    x_pad = jnp.pad(x, ((0, _NPAD - _N), (0, 0)))
    c3 = jnp.zeros((_D, 8), jnp.float32)
    c3 = c3.at[:, 0].set(att_src[0, 0, :])
    c3 = c3.at[:, 1].set(att_dst[0, 0, :])
    c3 = c3.at[:, 2].set(fc_w[:, 0])

    a_t, mx = _proj(x_pad, W, c3)
    big_m = mx[0, 0] + mx[0, 1]
    big_m = jnp.where(big_m >= 0.0, big_m, 0.2 * big_m)
    m_arr = jnp.full((_L,), big_m, jnp.float32)

    pad_idx = jnp.full((_EPAD - _E,), _N, jnp.int32)
    src_p = jnp.concatenate([edge_index[0], pad_idx])
    dst_p = jnp.concatenate([edge_index[1], pad_idx])

    s_part, d_part = _edge_kernel(src_p, dst_p, a_t[0], a_t[1], a_t[2], m_arr)

    cst = (gat_bias @ fc_w + fc_b).reshape(1, 1)
    out = _final(s_part, d_part, cst)
    return out[0, :_N].reshape(_N, 1)

# --- scband reference (transcript-rebuilt; emitter-appended) ---
"""Pipeline reference for scband-causal-gnn-48034914239285 (READ-ONLY COPY).

The authoritative reference and input builder live on the scoring server;
editing this copy changes nothing except your own understanding.
"""

import jax, jax.numpy as jnp
import numpy as np

N_PATCH = 5000
N_TOKEN = 5000
N = N_PATCH + N_TOKEN
E = 160000
D_IN = 256
HEADS = 1
D_HID = 256


def setup_inputs(seed: int = 0) -> dict:
    key = jax.random.key(seed)
    ks = jax.random.split(key, 9)
    patch_feats = jax.random.normal(ks[0], (N_PATCH, D_IN), dtype=jnp.float32)
    token_feats = jax.random.normal(ks[1], (N_TOKEN, D_IN), dtype=jnp.float32)
    edge_index = jax.random.randint(ks[2], (2, E), 0, N, dtype=jnp.int32)
    # GATConv parameters (PyG-style, concat heads)
    W = jax.random.normal(ks[3], (D_IN, HEADS * D_HID), dtype=jnp.float32) * (1.0 / np.sqrt(D_IN))
    att_src = jax.random.normal(ks[4], (1, HEADS, D_HID), dtype=jnp.float32) * (1.0 / np.sqrt(D_HID))
    att_dst = jax.random.normal(ks[5], (1, HEADS, D_HID), dtype=jnp.float32) * (1.0 / np.sqrt(D_HID))
    gat_bias = jnp.zeros((HEADS * D_HID,), dtype=jnp.float32)
    fc_w = jax.random.normal(ks[6], (HEADS * D_HID, 1), dtype=jnp.float32) * (1.0 / np.sqrt(HEADS * D_HID))
    fc_b = jnp.zeros((1,), dtype=jnp.float32)
    return {
        'patch_feats': patch_feats,
        'token_feats': token_feats,
        'edge_index': edge_index,
        'W': W,
        'att_src': att_src,
        'att_dst': att_dst,
        'gat_bias': gat_bias,
        'fc_w': fc_w,
        'fc_b': fc_b,
    }


def reference(patch_feats, token_feats, edge_index, W, att_src, att_dst, gat_bias, fc_w, fc_b):
    # features = torch.cat([patch_feats, token_feats], dim=0)
    x = jnp.concatenate([patch_feats, token_feats], axis=0)  # [N, D_IN]
    n = x.shape[0]
    src = edge_index[0]
    dst = edge_index[1]
    # GATConv: linear projection per head
    h = (x @ W).reshape(n, HEADS, D_HID)  # [N, H, D]
    # attention logits
    a_src = jnp.sum(h * att_src, axis=-1)  # [N, H]
    a_dst = jnp.sum(h * att_dst, axis=-1)  # [N, H]
    e = a_src[src] + a_dst[dst]            # [E, H]
    e = jax.nn.leaky_relu(e, negative_slope=0.2)
    # segment softmax over incoming edges of each dst node
    e_max = jax.ops.segment_max(e, dst, num_segments=n)
    e_max = jnp.where(jnp.isfinite(e_max), e_max, 0.0)
    e_max = jax.lax.stop_gradient(e_max)
    alpha = jnp.exp(e - e_max[dst])        # [E, H]
    denom = jax.ops.segment_sum(alpha, dst, num_segments=n)
    alpha = alpha / (denom[dst] + 1e-16)
    # message passing: gather from src, weight, scatter-add to dst
    msg = h[src] * alpha[:, :, None]       # [E, H, D]
    out = jax.ops.segment_sum(msg, dst, num_segments=n)  # [N, H, D]
    out = out.reshape(n, HEADS * D_HID) + gat_bias
    # fc scoring head
    scores = out @ fc_w + fc_b             # [N, 1]
    return scores

if __name__ == "__main__":
    import jax
    _d = setup_inputs()
    print(jax.jit(kernel)(*tuple(_d.values())))

</pallas_src>

<mosaic_0001>
#map = affine_map<(d0, d1) -> (0)>
#map1 = affine_map<(d0, d1) -> (0, 0)>
module attributes {stable_mosaic.version = 14 : i64} {
  func.func @_edge_kernel(%arg0: i32, %arg1: i32, %arg2: memref<160256xi32, #tpu.memory_space<hbm>>, %arg3: memref<160256xi32, #tpu.memory_space<hbm>>, %arg4: memref<10240xf32, #tpu.memory_space<hbm>>, %arg5: memref<10240xf32, #tpu.memory_space<hbm>>, %arg6: memref<10240xf32, #tpu.memory_space<hbm>>, %arg7: memref<16xf32, #tpu.memory_space<hbm>>, %arg8: memref<32x10240xf32, #tpu.memory_space<hbm>>, %arg9: memref<32x10240xf32, #tpu.memory_space<hbm>>, %arg10: memref<5008xi32, #tpu.memory_space<vmem>>, %arg11: memref<5008xi32, #tpu.memory_space<vmem>>, %arg12: memref<10240xf32, #tpu.memory_space<vmem>>, %arg13: memref<10240xf32, #tpu.memory_space<vmem>>, %arg14: memref<10240xf32, #tpu.memory_space<vmem>>, %arg15: memref<10240xf32, #tpu.memory_space<vmem>>, %arg16: memref<10240xf32, #tpu.memory_space<vmem>>, %arg17: memref<16xf32, #tpu.memory_space<vmem>>) attributes {dimension_semantics = [#tpu.dimension_semantics<core_parallel>, #tpu.dimension_semantics<subcore_parallel>], iteration_bounds = array<i64: 2, 16>, scalar_prefetch = 0 : i64, scratch_operands = 8 : i64, tpu.core_type = #tpu.core_type<sc_vector_subcore>, window_params = [{transform_indices = #map}, {transform_indices = #map}, {transform_indices = #map}, {transform_indices = #map}, {transform_indices = #map}, {transform_indices = #map}, {transform_indices = #map1}, {transform_indices = #map1}]} {
    %mul3A = arith.constant 2 : i32
    %mul3A_0 = arith.muli %arg1, %mul3A : i32
    %add3A = arith.addi %mul3A_0, %arg0 : i32
    %mul3A_1 = arith.constant 5008 : i32
    %mul3A_2 = arith.muli %add3A, %mul3A_1 : i32
    "tpu.region"() ({
      %run_scoped3A = tpu.sem_alloc : memref<!tpu.dma_semaphore, #tpu.memory_space<semaphore_mem>>
      %dma_start3A = tpu.memref_slice %arg2[%mul3A_2] : memref<160256xi32, #tpu.memory_space<hbm>> -> memref<5008xi32, #tpu.memory_space<hbm>>
      %dma_start3A_16 = tpu.memref_slice %arg2[%mul3A_2] : memref<160256xi32, #tpu.memory_space<hbm>> -> memref<5008xi32, #tpu.memory_space<hbm>>
      tpu.enqueue_dma source(%dma_start3A_16 : memref<5008xi32, #tpu.memory_space<hbm>>) target(%arg10 : memref<5008xi32, #tpu.memory_space<vmem>>) target_semaphore(%run_scoped3A : memref<!tpu.dma_semaphore, #tpu.memory_space<semaphore_mem>>)
      %dma_wait3A = tpu.memref_slice %arg2[%mul3A_2] : memref<160256xi32, #tpu.memory_space<hbm>> -> memref<5008xi32, #tpu.memory_space<hbm>>
      %dma_wait3A_17 = tpu.memref_slice %arg2[%mul3A_2] : memref<160256xi32, #tpu.memory_space<hbm>> -> memref<5008xi32, #tpu.memory_space<hbm>>
      tpu.wait_dma2 semaphore(%run_scoped3A : memref<!tpu.dma_semaphore, #tpu.memory_space<semaphore_mem>>) src(%dma_wait3A_17 : memref<5008xi32, #tpu.memory_space<hbm>>) dst(%arg10 : memref<5008xi32, #tpu.memory_space<vmem>>)
      tpu.yield
    }) : () -> ()
    "tpu.region"() ({
      %run_scoped3A = tpu.sem_alloc : memref<!tpu.dma_semaphore, #tpu.memory_space<semaphore_mem>>
      %dma_start3A = tpu.memref_slice %arg3[%mul3A_2] : memref<160256xi32, #tpu.memory_space<hbm>> -> memref<5008xi32, #tpu.memory_space<hbm>>
      %dma_start3A_16 = tpu.memref_slice %arg3[%mul3A_2] : memref<160256xi32, #tpu.memory_space<hbm>> -> memref<5008xi32, #tpu.memory_space<hbm>>
      tpu.enqueue_dma source(%dma_start3A_16 : memref<5008xi32, #tpu.memory_space<hbm>>) target(%arg11 : memref<5008xi32, #tpu.memory_space<vmem>>) target_semaphore(%run_scoped3A : memref<!tpu.dma_semaphore, #tpu.memory_space<semaphore_mem>>)
      %dma_wait3A = tpu.memref_slice %arg3[%mul3A_2] : memref<160256xi32, #tpu.memory_space<hbm>> -> memref<5008xi32, #tpu.memory_space<hbm>>
      %dma_wait3A_17 = tpu.memref_slice %arg3[%mul3A_2] : memref<160256xi32, #tpu.memory_space<hbm>> -> memref<5008xi32, #tpu.memory_space<hbm>>
      tpu.wait_dma2 semaphore(%run_scoped3A : memref<!tpu.dma_semaphore, #tpu.memory_space<semaphore_mem>>) src(%dma_wait3A_17 : memref<5008xi32, #tpu.memory_space<hbm>>) dst(%arg11 : memref<5008xi32, #tpu.memory_space<vmem>>)
      tpu.yield
    }) : () -> ()
    "tpu.region"() ({
      %run_scoped3A = tpu.sem_alloc : memref<!tpu.dma_semaphore, #tpu.memory_space<semaphore_mem>>
      tpu.enqueue_dma source(%arg4 : memref<10240xf32, #tpu.memory_space<hbm>>) target(%arg12 : memref<10240xf32, #tpu.memory_space<vmem>>) target_semaphore(%run_scoped3A : memref<!tpu.dma_semaphore, #tpu.memory_space<semaphore_mem>>)
      tpu.wait_dma2 semaphore(%run_scoped3A : memref<!tpu.dma_semaphore, #tpu.memory_space<semaphore_mem>>) src(%arg4 : memref<10240xf32, #tpu.memory_space<hbm>>) dst(%arg12 : memref<10240xf32, #tpu.memory_space<vmem>>)
      tpu.yield
    }) : () -> ()
    "tpu.region"() ({
      %run_scoped3A = tpu.sem_alloc : memref<!tpu.dma_semaphore, #tpu.memory_space<semaphore_mem>>
      tpu.enqueue_dma source(%arg5 : memref<10240xf32, #tpu.memory_space<hbm>>) target(%arg13 : memref<10240xf32, #tpu.memory_space<vmem>>) target_semaphore(%run_scoped3A : memref<!tpu.dma_semaphore, #tpu.memory_space<semaphore_mem>>)
      tpu.wait_dma2 semaphore(%run_scoped3A : memref<!tpu.dma_semaphore, #tpu.memory_space<semaphore_mem>>) src(%arg5 : memref<10240xf32, #tpu.memory_space<hbm>>) dst(%arg13 : memref<10240xf32, #tpu.memory_space<vmem>>)
      tpu.yield
    }) : () -> ()
    "tpu.region"() ({
      %run_scoped3A = tpu.sem_alloc : memref<!tpu.dma_semaphore, #tpu.memory_space<semaphore_mem>>
      tpu.enqueue_dma source(%arg6 : memref<10240xf32, #tpu.memory_space<hbm>>) target(%arg14 : memref<10240xf32, #tpu.memory_space<vmem>>) target_semaphore(%run_scoped3A : memref<!tpu.dma_semaphore, #tpu.memory_space<semaphore_mem>>)
      tpu.wait_dma2 semaphore(%run_scoped3A : memref<!tpu.dma_semaphore, #tpu.memory_space<semaphore_mem>>) src(%arg6 : memref<10240xf32, #tpu.memory_space<hbm>>) dst(%arg14 : memref<10240xf32, #tpu.memory_space<vmem>>)
      tpu.yield
    }) : () -> ()
    "tpu.region"() ({
      %run_scoped3A = tpu.sem_alloc : memref<!tpu.dma_semaphore, #tpu.memory_space<semaphore_mem>>
      tpu.enqueue_dma source(%arg7 : memref<16xf32, #tpu.memory_space<hbm>>) target(%arg17 : memref<16xf32, #tpu.memory_space<vmem>>) target_semaphore(%run_scoped3A : memref<!tpu.dma_semaphore, #tpu.memory_space<semaphore_mem>>)
      tpu.wait_dma2 semaphore(%run_scoped3A : memref<!tpu.dma_semaphore, #tpu.memory_space<semaphore_mem>>) src(%arg7 : memref<16xf32, #tpu.memory_space<hbm>>) dst(%arg17 : memref<16xf32, #tpu.memory_space<vmem>>)
      tpu.yield
    }) : () -> ()
    %broadcast_in_dim3A = arith.constant 0.000000e+00 : f32
    %broadcast_in_dim3A_3 = vector.broadcast %broadcast_in_dim3A : f32 to vector<16xf32>
    %scan3A = arith.constant 0 : i32
    %scan3A_4 = arith.constant 0 : i32
    %scan3A_5 = arith.constant 640 : i32
    %scan3A_6 = arith.addi %scan3A_4, %scan3A_5 : i32
    %scan3A_7 = arith.constant 1 : i32
    scf.for %scan3A_16 = %scan3A_4 to %scan3A_6 step %scan3A_7  : i32 {
      %mul3A_17 = arith.constant 16 : i32
      %mul3A_18 = arith.muli %scan3A_16, %mul3A_17 : i32
      %swap3A = arith.index_cast %mul3A_18 : i32 to index
      %swap3A_19 = tpu.vector_load %arg15[%swap3A] {strides = array<i32>} : memref<10240xf32, #tpu.memory_space<vmem>>, vector<16xf32>,
      tpu.vector_store %arg15[%swap3A], %broadcast_in_dim3A_3 {strides = array<i32>} : memref<10240xf32, #tpu.memory_space<vmem>>, vector<16xf32>,
      %mul3A_20 = arith.constant 16 : i32
      %mul3A_21 = arith.muli %scan3A_16, %mul3A_20 : i32
      %swap3A_22 = arith.index_cast %mul3A_21 : i32 to index
      %swap3A_23 = tpu.vector_load %arg16[%swap3A_22] {strides = array<i32>} : memref<10240xf32, #tpu.memory_space<vmem>>, vector<16xf32>,
      tpu.vector_store %arg16[%swap3A_22], %broadcast_in_dim3A_3 {strides = array<i32>} : memref<10240xf32, #tpu.memory_space<vmem>>, vector<16xf32>,
    }
    %scan3A_8 = arith.constant 640 : i32
    %get3A = arith.constant 0 : index
    %get3A_9 = tpu.vector_load %arg17[%get3A] {strides = array<i32>} : memref<16xf32, #tpu.memory_space<vmem>>, vector<16xf32>,
    %scan3A_10 = arith.constant 0 : i32
    %scan3A_11 = arith.constant 0 : i32
    %scan3A_12 = arith.constant 313 : i32
    %scan3A_13 = arith.addi %scan3A_11, %scan3A_12 : i32
    %scan3A_14 = arith.constant 1 : i32
    scf.for %scan3A_16 = %scan3A_11 to %scan3A_13 step %scan3A_14  : i32 {
      %mul3A_17 = arith.constant 16 : i32
      %mul3A_18 = arith.muli %scan3A_16, %mul3A_17 : i32
      %get3A_19 = arith.index_cast %mul3A_18 : i32 to index
      %get3A_20 = tpu.vector_load %arg10[%get3A_19] {strides = array<i32>} : memref<5008xi32, #tpu.memory_space<vmem>>, vector<16xi32>,
      %mul3A_21 = arith.constant 16 : i32
      %mul3A_22 = arith.muli %scan3A_16, %mul3A_21 : i32
      %get3A_23 = arith.index_cast %mul3A_22 : i32 to index
      %get3A_24 = tpu.vector_load %arg11[%get3A_23] {strides = array<i32>} : memref<5008xi32, #tpu.memory_space<vmem>>, vector<16xi32>,
      %gather3A = tpu.vector_load_idx %arg12[%get3A_20] : memref<10240xf32, #tpu.memory_space<vmem>>[vector<16xi32>], vector<16xf32>,
      %gather3A_25 = tpu.vector_load_idx %arg13[%get3A_24] : memref<10240xf32, #tpu.memory_space<vmem>>[vector<16xi32>], vector<16xf32>,
      %gather3A_26 = tpu.vector_load_idx %arg14[%get3A_20] : memref<10240xf32, #tpu.memory_space<vmem>>[vector<16xi32>], vector<16xf32>,
      %add3A_27 = arith.addf %gather3A, %gather3A_25 : vector<16xf32>
      %ge3A = arith.constant 0.000000e+00 : f32
      %ge3A_28 = vector.broadcast %ge3A : f32 to vector<16xf32>
      %ge3A_29 = arith.cmpf oge, %add3A_27, %ge3A_28 : vector<16xf32>
      %mul3A_30 = arith.constant 2.000000e-01 : f32
      %mul3A_31 = vector.broadcast %mul3A_30 : f32 to vector<16xf32>
      %mul3A_32 = arith.mulf %mul3A_31, %add3A_27 : vector<16xf32>
      %select_n3A = arith.select %ge3A_29, %add3A_27, %mul3A_32 : vector<16xi1>, vector<16xf32>
      %sub3A = arith.subf %select_n3A, %get3A_9 : vector<16xf32>
      %exp3A = math.exp %sub3A : vector<16xf32>
      tpu.vector_store_idx %arg16[%get3A_24], %exp3A {add = true} : memref<10240xf32, #tpu.memory_space<vmem>>[vector<16xi32>], vector<16xf32>,
      %mul3A_33 = arith.mulf %exp3A, %gather3A_26 : vector<16xf32>
      tpu.vector_store_idx %arg15[%get3A_24], %mul3A_33 {add = true} : memref<10240xf32, #tpu.memory_space<vmem>>[vector<16xi32>], vector<16xf32>,
    }
    %scan3A_15 = arith.constant 313 : i32
    "tpu.region"() ({
      %run_scoped3A = tpu.sem_alloc : memref<!tpu.dma_semaphore, #tpu.memory_space<semaphore_mem>>
      %dma_start3A = arith.constant 0 : i32
      %dma_start3A_16 = tpu.memref_slice %arg8[%add3A, %dma_start3A] : memref<32x10240xf32, #tpu.memory_space<hbm>> -> memref<1x10240xf32, #tpu.memory_space<hbm>>
      %dma_start3A_17 = tpu.memref_squeeze %dma_start3A_16 : memref<1x10240xf32, #tpu.memory_space<hbm>> -> memref<10240xf32, #tpu.memory_space<hbm>>
      %dma_start3A_18 = arith.constant 0 : i32
      %dma_start3A_19 = tpu.memref_slice %arg8[%add3A, %dma_start3A_18] : memref<32x10240xf32, #tpu.memory_space<hbm>> -> memref<1x10240xf32, #tpu.memory_space<hbm>>
      %dma_start3A_20 = tpu.memref_squeeze %dma_start3A_19 : memref<1x10240xf32, #tpu.memory_space<hbm>> -> memref<10240xf32, #tpu.memory_space<hbm>>
      tpu.enqueue_dma source(%arg15 : memref<10240xf32, #tpu.memory_space<vmem>>) target(%dma_start3A_20 : memref<10240xf32, #tpu.memory_space<hbm>>) target_semaphore(%run_scoped3A : memref<!tpu.dma_semaphore, #tpu.memory_space<semaphore_mem>>)
      %dma_wait3A = arith.constant 0 : i32
      %dma_wait3A_21 = tpu.memref_slice %arg8[%add3A, %dma_wait3A] : memref<32x10240xf32, #tpu.memory_space<hbm>> -> memref<1x10240xf32, #tpu.memory_space<hbm>>
      %dma_wait3A_22 = tpu.memref_squeeze %dma_wait3A_21 : memref<1x10240xf32, #tpu.memory_space<hbm>> -> memref<10240xf32, #tpu.memory_space<hbm>>
      %dma_wait3A_23 = arith.constant 0 : i32
      %dma_wait3A_24 = tpu.memref_slice %arg8[%add3A, %dma_wait3A_23] : memref<32x10240xf32, #tpu.memory_space<hbm>> -> memref<1x10240xf32, #tpu.memory_space<hbm>>
      %dma_wait3A_25 = tpu.memref_squeeze %dma_wait3A_24 : memref<1x10240xf32, #tpu.memory_space<hbm>> -> memref<10240xf32, #tpu.memory_space<hbm>>
      tpu.wait_dma2 semaphore(%run_scoped3A : memref<!tpu.dma_semaphore, #tpu.memory_space<semaphore_mem>>) src(%arg15 : memref<10240xf32, #tpu.memory_space<vmem>>) dst(%dma_wait3A_25 : memref<10240xf32, #tpu.memory_space<hbm>>)
      tpu.yield
    }) : () -> ()
    "tpu.region"() ({
      %run_scoped3A = tpu.sem_alloc : memref<!tpu.dma_semaphore, #tpu.memory_space<semaphore_mem>>
      %dma_start3A = arith.constant 0 : i32
      %dma_start3A_16 = tpu.memref_slice %arg9[%add3A, %dma_start3A] : memref<32x10240xf32, #tpu.memory_space<hbm>> -> memref<1x10240xf32, #tpu.memory_space<hbm>>
      %dma_start3A_17 = tpu.memref_squeeze %dma_start3A_16 : memref<1x10240xf32, #tpu.memory_space<hbm>> -> memref<10240xf32, #tpu.memory_space<hbm>>
      %dma_start3A_18 = arith.constant 0 : i32
      %dma_start3A_19 = tpu.memref_slice %arg9[%add3A, %dma_start3A_18] : memref<32x10240xf32, #tpu.memory_space<hbm>> -> memref<1x10240xf32, #tpu.memory_space<hbm>>
      %dma_start3A_20 = tpu.memref_squeeze %dma_start3A_19 : memref<1x10240xf32, #tpu.memory_space<hbm>> -> memref<10240xf32, #tpu.memory_space<hbm>>
      tpu.enqueue_dma source(%arg16 : memref<10240xf32, #tpu.memory_space<vmem>>) target(%dma_start3A_20 : memref<10240xf32, #tpu.memory_space<hbm>>) target_semaphore(%run_scoped3A : memref<!tpu.dma_semaphore, #tpu.memory_space<semaphore_mem>>)
      %dma_wait3A = arith.constant 0 : i32
      %dma_wait3A_21 = tpu.memref_slice %arg9[%add3A, %dma_wait3A] : memref<32x10240xf32, #tpu.memory_space<hbm>> -> memref<1x10240xf32, #tpu.memory_space<hbm>>
      %dma_wait3A_22 = tpu.memref_squeeze %dma_wait3A_21 : memref<1x10240xf32, #tpu.memory_space<hbm>> -> memref<10240xf32, #tpu.memory_space<hbm>>
      %dma_wait3A_23 = arith.constant 0 : i32
      %dma_wait3A_24 = tpu.memref_slice %arg9[%add3A, %dma_wait3A_23] : memref<32x10240xf32, #tpu.memory_space<hbm>> -> memref<1x10240xf32, #tpu.memory_space<hbm>>
      %dma_wait3A_25 = tpu.memref_squeeze %dma_wait3A_24 : memref<1x10240xf32, #tpu.memory_space<hbm>> -> memref<10240xf32, #tpu.memory_space<hbm>>
      tpu.wait_dma2 semaphore(%run_scoped3A : memref<!tpu.dma_semaphore, #tpu.memory_space<semaphore_mem>>) src(%arg16 : memref<10240xf32, #tpu.memory_space<vmem>>) dst(%dma_wait3A_25 : memref<10240xf32, #tpu.memory_space<hbm>>)
      tpu.yield
    }) : () -> ()
    return
  }
}

module attributes {stable_mosaic.version = 14 : i64} {
  func.func @_proj_body(%arg0: i32, %arg1: memref<1024x256xf32, #tpu.memory_space<vmem>>, %arg2: memref<256x256xf32, #tpu.memory_space<vmem>>, %arg3: memref<256x8xf32, #tpu.memory_space<vmem>>, %arg4: memref<8x1024xf32, #tpu.memory_space<vmem>>, %arg5: memref<1x2xf32, #tpu.memory_space<smem>>) attributes {dimension_semantics = [#tpu.dimension_semantics<arbitrary>], iteration_bounds = array<i64: 10>, scalar_prefetch = 0 : i64, scratch_operands = 0 : i64, tpu.core_type = #tpu.core_type<tc>, window_params = [{transform_indices = @transform_0, window_bounds = array<i64: 1024, 256>}, {pipeline_mode = #tpu.pipeline_mode<synchronous>, transform_indices = @transform_1, window_bounds = array<i64: 256, 256>}, {pipeline_mode = #tpu.pipeline_mode<synchronous>, transform_indices = @transform_2, window_bounds = array<i64: 256, 8>}, {transform_indices = @transform_3, window_bounds = array<i64: 8, 1024>}, {transform_indices = @transform_4, window_bounds = array<i64: 1, 2>}]} {
    %get3A = arith.constant 0 : index
    %get3A_0 = arith.constant 0 : index
    %get3A_1 = vector.load %arg2[%get3A, %get3A_0] : memref<256x256xf32, #tpu.memory_space<vmem>>, vector<256x256xf32>
    %get3A_2 = arith.constant 0 : index
    %get3A_3 = arith.constant 0 : index
    %get3A_4 = vector.load %arg3[%get3A_2, %get3A_3] : memref<256x8xf32, #tpu.memory_space<vmem>>, vector<256x8xf32>
    %dot_general3A = arith.constant dense<0.000000e+00> : vector<256x8xf32>
    %dot_general3A_5 = tpu.matmul %get3A_1, %get3A_4, %dot_general3A {dimension_numbers = #tpu.dot_dimension_numbers<[1], [0], [0], [1], [0, 0, 1, 1], [], []>, precision = #tpu.contract_precision<fp32>, transpose_lhs_hint = false} : vector<256x256xf32>, vector<256x8xf32>, vector<256x8xf32> -> vector<256x8xf32>
    %get3A_6 = arith.constant 0 : index
    %get3A_7 = arith.constant 0 : index
    %get3A_8 = vector.load %arg1[%get3A_6, %get3A_7] : memref<1024x256xf32, #tpu.memory_space<vmem>>, vector<1024x256xf32>
    %dot_general3A_9 = arith.constant dense<0.000000e+00> : vector<8x1024xf32>
    %dot_general3A_10 = tpu.matmul %dot_general3A_5, %get3A_8, %dot_general3A_9 {dimension_numbers = #tpu.dot_dimension_numbers<[0], [1], [1], [0], [0, 1, 1, 0], [], []>, precision = #tpu.contract_precision<fp32>, transpose_lhs_hint = false} : vector<256x8xf32>, vector<1024x256xf32>, vector<8x1024xf32> -> vector<8x1024xf32>
    %swap3A = arith.constant 0 : index
    %swap3A_11 = arith.constant 0 : index
    %swap3A_12 = vector.load %arg4[%swap3A, %swap3A_11] : memref<8x1024xf32, #tpu.memory_space<vmem>>, vector<8x1024xf32>
    tpu.vector_store %arg4[%swap3A, %swap3A_11], %dot_general3A_10 {strides = array<i32>} : memref<8x1024xf32, #tpu.memory_space<vmem>>, vector<8x1024xf32>,
    %slice3A = vector.extract_strided_slice %dot_general3A_10 {offsets = [0, 0], sizes = [1, 1024], strides = [1, 1]} : vector<8x1024xf32> to vector<1x1024xf32>
    %squeeze3A = vector.shape_cast %slice3A : vector<1x1024xf32> to vector<1024xf32>
    %reduce_max3A = vector.shape_cast %squeeze3A : vector<1024xf32> to vector<1x1024xf32>
    %reduce_max3A_13 = arith.constant dense<0xFF800000> : vector<1xf32>
    %reduce_max3A_14 = vector.multi_reduction <maximumf>, %reduce_max3A, %reduce_max3A_13 [1] : vector<1x1024xf32> to vector<1xf32>
    %reduce_max3A_15 = vector.shape_cast %reduce_max3A_14 : vector<1xf32> to vector<1x1xf32>
    %reduce_max3A_16 = vector.extract %reduce_max3A_15[0, 0] : f32 from vector<1x1xf32>
    %slice3A_17 = vector.extract_strided_slice %dot_general3A_10 {offsets = [1, 0], sizes = [1, 1024], strides = [1, 1]} : vector<8x1024xf32> to vector<1x1024xf32>
    %squeeze3A_18 = vector.shape_cast %slice3A_17 : vector<1x1024xf32> to vector<1024xf32>
    %reduce_max3A_19 = vector.shape_cast %squeeze3A_18 : vector<1024xf32> to vector<1x1024xf32>
    %reduce_max3A_20 = arith.constant dense<0xFF800000> : vector<1xf32>
    %reduce_max3A_21 = vector.multi_reduction <maximumf>, %reduce_max3A_19, %reduce_max3A_20 [1] : vector<1x1024xf32> to vector<1xf32>
    %reduce_max3A_22 = vector.shape_cast %reduce_max3A_21 : vector<1xf32> to vector<1x1xf32>
    %reduce_max3A_23 = vector.extract %reduce_max3A_22[0, 0] : f32 from vector<1x1xf32>
    %eq3A = arith.constant 0 : i32
    %eq3A_24 = arith.cmpi eq, %arg0, %eq3A : i32
    %convert_element_type3A = arith.extui %eq3A_24 : i1 to i32
    %cond3A = arith.constant 0 : i32
    %cond3A_25 = arith.cmpi ne, %convert_element_type3A, %cond3A : i32
    scf.if %cond3A_25 {
      %swap3A_30 = arith.constant 0 : index
      %swap3A_31 = arith.constant 0 : index
      %swap3A_32 = memref.load %arg5[%swap3A_30, %swap3A_31] : memref<1x2xf32, #tpu.memory_space<smem>>
      memref.store %reduce_max3A_16, %arg5[%swap3A_30, %swap3A_31] : memref<1x2xf32, #tpu.memory_space<smem>>
      %swap3A_33 = arith.constant 0 : index
      %swap3A_34 = arith.constant 1 : index
      %swap3A_35 = memref.load %arg5[%swap3A_33, %swap3A_34] : memref<1x2xf32, #tpu.memory_space<smem>>
      memref.store %reduce_max3A_23, %arg5[%swap3A_33, %swap3A_34] : memref<1x2xf32, #tpu.memory_space<smem>>
    } else {
    }
    %gt3A = arith.constant 0 : i32
    %gt3A_26 = arith.cmpi sgt, %arg0, %gt3A : i32
    %convert_element_type3A_27 = arith.extui %gt3A_26 : i1 to i32
    %cond3A_28 = arith.constant 0 : i32
    %cond3A_29 = arith.cmpi ne, %convert_element_type3A_27, %cond3A_28 : i32
    scf.if %cond3A_29 {
      %get3A_30 = arith.constant 0 : index
      %get3A_31 = arith.constant 0 : index
      %get3A_32 = memref.load %arg5[%get3A_30, %get3A_31] : memref<1x2xf32, #tpu.memory_space<smem>>
      %max3A = arith.maximumf %get3A_32, %reduce_max3A_16 : f32
      %swap3A_33 = arith.constant 0 : index
      %swap3A_34 = arith.constant 0 : index
      %swap3A_35 = memref.load %arg5[%swap3A_33, %swap3A_34] : memref<1x2xf32, #tpu.memory_space<smem>>
      memref.store %max3A, %arg5[%swap3A_33, %swap3A_34] : memref<1x2xf32, #tpu.memory_space<smem>>
      %get3A_36 = arith.constant 0 : index
      %get3A_37 = arith.constant 1 : index
      %get3A_38 = memref.load %arg5[%get3A_36, %get3A_37] : memref<1x2xf32, #tpu.memory_space<smem>>
      %max3A_39 = arith.maximumf %get3A_38, %reduce_max3A_23 : f32
      %swap3A_40 = arith.constant 0 : index
      %swap3A_41 = arith.constant 1 : index
      %swap3A_42 = memref.load %arg5[%swap3A_40, %swap3A_41] : memref<1x2xf32, #tpu.memory_space<smem>>
      memref.store %max3A_39, %arg5[%swap3A_40, %swap3A_41] : memref<1x2xf32, #tpu.memory_space<smem>>
    } else {
    }
    return
  }
  func.func @transform_0(%arg0: i32) -> (i32, i32) {
    %c0_i32 = arith.constant 0 : i32
    %c0_i32_0 = arith.constant 0 : i32
    return %arg0, %c0_i32 : i32, i32
  }
  func.func @transform_1(%arg0: i32) -> (i32, i32) {
    %c0_i32 = arith.constant 0 : i32
    %c0_i32_0 = arith.constant 0 : i32
    %c0_i32_1 = arith.constant 0 : i32
    return %c0_i32, %c0_i32_0 : i32, i32
  }
  func.func @transform_2(%arg0: i32) -> (i32, i32) {
    %c0_i32 = arith.constant 0 : i32
    %c0_i32_0 = arith.constant 0 : i32
    %c0_i32_1 = arith.constant 0 : i32
    return %c0_i32, %c0_i32_0 : i32, i32
  }
  func.func @transform_3(%arg0: i32) -> (i32, i32) {
    %c0_i32 = arith.constant 0 : i32
    %c0_i32_0 = arith.constant 0 : i32
    return %c0_i32, %arg0 : i32, i32
  }
  func.func @transform_4(%arg0: i32) -> (i32, i32) {
    %c0_i32 = arith.constant 0 : i32
    %c0_i32_0 = arith.constant 0 : i32
    %c0_i32_1 = arith.constant 0 : i32
    return %c0_i32, %c0_i32_0 : i32, i32
  }
}

module attributes {stable_mosaic.version = 14 : i64} {
  func.func @_final_body(%arg0: memref<32x10240xf32, #tpu.memory_space<vmem>>, %arg1: memref<32x10240xf32, #tpu.memory_space<vmem>>, %arg2: memref<1x1xf32, #tpu.memory_space<smem>>, %arg3: memref<1x10240xf32, #tpu.memory_space<vmem>>) attributes {dimension_semantics = [], scalar_prefetch = 0 : i64, scratch_operands = 0 : i64, tpu.core_type = #tpu.core_type<tc>} {
    %get3A = arith.constant 0 : index
    %get3A_0 = arith.constant 0 : index
    %get3A_1 = vector.load %arg0[%get3A, %get3A_0] : memref<32x10240xf32, #tpu.memory_space<vmem>>, vector<32x10240xf32>
    %reduce_sum3A = arith.constant dense<0.000000e+00> : vector<10240xf32>
    %reduce_sum3A_2 = vector.multi_reduction <add>, %get3A_1, %reduce_sum3A [0] : vector<32x10240xf32> to vector<10240xf32>
    %get3A_3 = arith.constant 0 : index
    %get3A_4 = arith.constant 0 : index
    %get3A_5 = vector.load %arg1[%get3A_3, %get3A_4] : memref<32x10240xf32, #tpu.memory_space<vmem>>, vector<32x10240xf32>
    %reduce_sum3A_6 = arith.constant dense<0.000000e+00> : vector<10240xf32>
    %reduce_sum3A_7 = vector.multi_reduction <add>, %get3A_5, %reduce_sum3A_6 [0] : vector<32x10240xf32> to vector<10240xf32>
    %add3A = arith.constant 1.000000e-16 : f32
    %add3A_8 = vector.broadcast %add3A : f32 to vector<10240xf32>
    %add3A_9 = arith.addf %reduce_sum3A_7, %add3A_8 : vector<10240xf32>
    %div3A = arith.divf %reduce_sum3A_2, %add3A_9 : vector<10240xf32>
    %get3A_10 = arith.constant 0 : index
    %get3A_11 = arith.constant 0 : index
    %get3A_12 = memref.load %arg2[%get3A_10, %get3A_11] : memref<1x1xf32, #tpu.memory_space<smem>>
    %add3A_13 = vector.broadcast %get3A_12 : f32 to vector<10240xf32>
    %add3A_14 = arith.addf %div3A, %add3A_13 : vector<10240xf32>
    %broadcast_in_dim3A = vector.shape_cast %add3A_14 : vector<10240xf32> to vector<1x10240xf32>
    %swap3A = arith.constant 0 : index
    %swap3A_15 = arith.constant 0 : index
    %swap3A_16 = vector.load %arg3[%swap3A, %swap3A_15] : memref<1x10240xf32, #tpu.memory_space<vmem>>, vector<1x10240xf32>
    tpu.vector_store %arg3[%swap3A, %swap3A_15], %broadcast_in_dim3A {strides = array<i32>} : memref<1x10240xf32, #tpu.memory_space<vmem>>, vector<1x10240xf32>,
    return
  }
}

</mosaic_0001>

<sc_bundles>
// kernel: kernel.5.cloned.1.call-start
scs
__scs_entry_jumppad:
0x0: {  	(pc) =	sbr.rel $0x88, $3  }
0x1: {  	(tag) =	ssettag $0x0;
	lr =	simm.s32 $0x1  }
0x2: {  	[smem:$0x3F98] =	sst lr;
	_ =	strace $0xD0000000  }
0x3: {  	_ = 	snop  }
0x4: {  	_ = 	snop  }
0x5: {  	_ = 	snop  }
0x6: {  	_ = 	snop  }
0x7: {  	_ = 	snop  }
__scs_overlays_trampoline_lowered:
0x8: {  	[smem:$0x3FA7] =	sst s0  }
0x9: {  	[smem:$0x3FA8] =	sst s1  }
0xa: {  	[smem:$0x3FA9] =	sst s2  }
0xb: {  	[smem:$0x3FAA] =	sst s3  }
0xc: {  	[smem:$0x3FAB] =	sst s4  }
0xd: {  	[smem:$0x3FAC] =	sst s5  }
0xe: {  	[smem:$0x3FAD] =	sst s6  }
0xf: {  	[smem:$0x3FAE] =	sst s7  }
0x10: {  	[smem:$0x3FAF] =	sst s8  }
0x11: {  	[smem:$0x3FB0] =	sst s9;
	s0 =	simm.s32 @!p0 $0x0  }
0x12: {  	s1 =	sld [smem:$0x3F96];
	s0 =	simm.s32 @p0 $0x1  }
0x13: {  	[smem:$0x3FB1] =	sst s0;
	s0 =	simm.s32 @!p1 $0x0  }
0x14: {  	s2 =	sld [smem:$0x3F95];
	s0 =	simm.s32 @p1 $0x1  }
0x15: {  	[smem:$0x3FB2] =	sst s0;
	s0 =	simm.s32 @!p2 $0x0  }
0x16: {  	s3 =	sld [smem:$0x3FDB];
	s0 =	simm.s32 @p2 $0x1  }
0x17: {  	s4 =	simm.s32 $0x1BF5;
	[smem:$0x3FB4] =	sst s0  }
0x18: {  	s0 =	sld [smem:$0x3F97];
	_ =	swait.ge [sflag:s4], $0x0  }
0x19: {  	s7 =	sld [smem:$0x3F98]  }
0x1a: {  	s8 =	sadd.s32 $0xFFFFE003, lr  }
0x1b: {  	s9 =	sadd.s32 $0xFFFFFEF7, lr;
	s5 =	simm.s32 $0xFFFFFFFF;
	p2 =	slt.u32 s8, $0xFFFFF086  }
0x1c: {  	p1 =	slt.u32 s9, $0xF7A;
	s5 =	simm.s32 @!p2 $0x0  }
0x1d: {  	s5 =	simm.s32 @p1 $0x1;
	p0 =	seq.s32 s7, s2  }
0x1e: {  	s7 =	smul.u32 @!p0 $0xF7A, s2;
	p2 =	seq.s32 @!p0 s5, $0x0  }
0x1f: {  	s9 =	smul.u32 $0xF7A, s1;
	s8 =	simm.s32 @!p0 $0x1BF5;
	p2 =	por !p2, p0  }
0x20: {  	[sflag:s8] =	ssyncset.s32 @!p0 $0xFFFFF086;
	s6 =	sadd.s32 @!p0 s3, s7;
	s7 =	simm.s32 @!p0 $0x108  }
0x21: {  	s3 =	sadd.s32 s3, s9;
	s6 =	sadd.s32 @!p0 $0x88, s6;
	s7 =	simm.s32 @p2 $0x1082  }
0x22: {  	[simem:s7], [sflag:s8] =	dma.local @!p0 [hbm:s6], $0xF7A  }
0x23: {  	s9 =	sor.u32 $0xD0000000, s2;
	s6 =	simm.s32 $0x108;
	_ =	swait.ge @!p0 [sflag:s8], $0x0  }
0x24: {  	s3 =	sadd.s32 $0x88, s3;
	s6 =	simm.s32 @!p1 $0x1082;
	[sflag:s4] =	ssyncset.s32 $0xFFFFF086  }
0x25: {  	[simem:s6], [sflag:s4] =	dma.local [hbm:s3], $0xF7A  }
0x26: {  	[smem:$0x3F98] =	sst s1;
	(tag) =	ssettag s2;
	_ =	strace s9  }
0x27: {  	s1 =	sld [smem:$0x3FA8]  }
0x28: {  	s2 =	sld [smem:$0x3FA9]  }
0x29: {  	s4 =	sld [smem:$0x3FAB]  }
0x2a: {  	p0 =	seq.s32 s5, $0x0;
	s5 =	sld [smem:$0x3FAC]  }
0x2b: {  	s6 =	sld [smem:$0x3FAD]  }
0x2c: {  	s7 =	sld [smem:$0x3FAE]  }
0x2d: {  	s3 =	simm.s32 $0x108;
	s8 =	sld [smem:$0x3FAF]  }
0x2e: {  	s3 =	simm.s32 @!p0 $0x1082;
	s9 =	sld [smem:$0x3FB0]  }
0x2f: {  	lr =	sadd.s32 s0, s3;
	s0 =	sld [smem:$0x3FA7]  }
0x30: {  	s3 =	sld [smem:$0x3FAA]  }
0x31: {  	[smem:$0x3FB3] =	sst s10  }
0x32: {  	s10 =	sld [smem:$0x3FB1];
	_ =	sdelay $0x3  }
0x33: {  	p0 =	seq.s32 s10, $0x1;
	s10 =	sld [smem:$0x3FB3];
	_ =	sdelay $0x3  }
0x34: {  	[smem:$0x3FB3] =	sst s10  }
0x35: {  	s10 =	sld [smem:$0x3FB2];
	_ =	sdelay $0x3  }
0x36: {  	p1 =	seq.s32 s10, $0x1;
	s10 =	sld [smem:$0x3FB3];
	_ =	sdelay $0x3  }
0x37: {  	[smem:$0x3FB3] =	sst s10  }
0x38: {  	s10 =	sld [smem:$0x3FB4]  }
0x39: {  	_ = 	snop;
	(pc) =	sbr.ind lr, $3  }
0x3a: {  	_ = 	snop  }
0x3b: {  	_ = 	snop  }
0x3c: {  	p2 =	seq.s32 s10, $0x1;
	s10 =	sld [smem:$0x3FB3]  }
0x3d: {  	_ =	shalt  }
0x3e: {  	_ =	shalt  }
0x3f: {  	_ =	shalt  }
0x40: {  	_ =	shalt  }
0x41: {  	_ =	shalt  }
0x42: {  	_ =	shalt  }
0x43: {  	_ =	shalt  }
0x44: {  	_ =	shalt  }
0x45: {  	_ =	shalt  }
0x46: {  	_ =	shalt  }
0x47: {  	_ =	shalt  }
0x48: {  	_ =	shalt  }
0x49: {  	_ =	shalt  }
0x4a: {  	_ =	shalt  }
0x4b: {  	_ =	shalt  }
0x4c: {  	_ =	shalt  }
0x4d: {  	_ =	shalt  }
0x4e: {  	_ =	shalt  }
0x4f: {  	_ =	shalt  }
0x50: {  	_ =	shalt  }
0x51: {  	_ =	shalt  }
0x52: {  	_ =	shalt  }
0x53: {  	_ =	shalt  }
0x54: {  	_ =	shalt  }
0x55: {  	_ =	shalt  }
0x56: {  	_ =	shalt  }
0x57: {  	_ =	shalt  }
0x58: {  	_ =	shalt  }
0x59: {  	_ =	shalt  }
0x5a: {  	_ =	shalt  }
0x5b: {  	_ =	shalt  }
0x5c: {  	_ =	shalt  }
0x5d: {  	_ =	shalt  }
0x5e: {  	_ =	shalt  }
0x5f: {  	_ =	shalt  }
0x60: {  	_ =	shalt  }
0x61: {  	_ =	shalt  }
0x62: {  	_ =	shalt  }
0x63: {  	_ =	shalt  }
0x64: {  	_ =	shalt  }
0x65: {  	_ =	shalt  }
0x66: {  	_ =	shalt  }
0x67: {  	_ =	shalt  }
0x68: {  	_ =	shalt  }
0x69: {  	_ =	shalt  }
0x6a: {  	_ =	shalt  }
0x6b: {  	_ =	shalt  }
0x6c: {  	_ =	shalt  }
0x6d: {  	_ =	shalt  }
0x6e: {  	_ =	shalt  }
0x6f: {  	_ =	shalt  }
0x70: {  	_ =	shalt  }
0x71: {  	_ =	shalt  }
0x72: {  	_ =	shalt  }
0x73: {  	_ =	shalt  }
0x74: {  	_ =	shalt  }
0x75: {  	_ =	shalt  }
0x76: {  	_ =	shalt  }
0x77: {  	_ =	shalt  }
0x78: {  	_ =	shalt  }
0x79: {  	_ =	shalt  }
0x7a: {  	_ =	shalt  }
0x7b: {  	_ =	shalt  }
0x7c: {  	_ =	shalt  }
0x7d: {  	_ =	shalt  }
0x7e: {  	_ =	shalt  }
0x7f: {  	_ =	shalt  }
0x80: {  	_ =	shalt  }
0x81: {  	_ =	shalt  }
0x82: {  	_ =	shalt  }
0x83: {  	_ =	shalt  }
0x84: {  	_ =	shalt  }
0x85: {  	_ =	shalt  }
0x86: {  	_ =	shalt  }
0x87: {  	_ =	shalt  }
.Lfunc_end0:
.L_simem_size_0:
called_computation_lowered:
.L_overlay_start_0:
0x88: {  	s2 =	sld [smem:$0x3FD9]  }
0x89: {  	s3 =	sld [smem:$0x3FFE];
	_ =	sdelay $0x1  }
0x8a: {  	s1 =	srdreg.scid  }
0x8b: {  	s0 =	sand.u32 $0x1, s1  }
0x8c: {  	s17 =	sshll.u32 s0, $0xA;
	s2 =	sadd.s32 s3, s2  }
0x8d: {  	s2 =	sadd.s32 s2, s17  }
0x8e: {  	[smem:$0x3FBF] =	sst s2  }
0x8f: {  	_ = 	snop  }
0x90: {  	s2 =	sld [smem:$0x3FD0];
	(tm) =	ssettm $0x1  }
0x91: {  	s18 =	sld [smem:$0x3FFB];
	_ =	sdelay $0x3  }
0x92: {  	_ =	strace s18  }
0x93: {  	s3 =	sld [smem:$0x3FFC];
	_ =	sdelay $0x3  }
0x94: {  	_ =	strace s3  }
0x95: {  	s3 =	sld [smem:$0x3FFD];
	_ =	sdelay $0x3  }
0x96: {  	_ =	strace s3  }
0x97: {  	_ =	strace $0x8FFFFFFF  }
0x98: {  	s19 =	sld [smem:$0x3FDB];
	_ =	sdelay $0x1  }
0x99: {  	s4 =	simm.s32 $_scs_section_size  }
0x9a: {  	s5 =	simm.s32 $_size__tile_overlayer_lowered;
	s6 =	simm.s32 $_tile_overlayer_lowered  }
0x9b: {  	s22 =	simm.s32 $0x1BFF;
	s21 =	sshll.u32 s6, $0x1;
	s3 =	sadd.s32 s4, s19  }
0x9c: {  	s7 =	simm.s32 $0x0;
	s20 =	sshll.u32 s5, $0x1;
	s5 =	sadd.s32 s21, s3  }
0x9d: {  	[timem:s7], [sflag:s22] =	dma.local [hbm:s5], s20  }
0x9e: {  	_ =	swait.ge [sflag:s22], s20  }
0x9f: {  	s4 =	ssub.s32 $0x0, s20;
	[sflag:s22] =	ssyncset.done $0x0  }
0xa0: {  	[sflag:s22] =	ssyncadd.s32 s4;
	_ =	sdelay $0x1  }
0xa1: {  	s23 =	simm.s32 $0x1B8B  }
0xa2: {  	_ =	swait.ge [sflag:s23], $0x1  }
0xa3: {  	[sflag:s23] =	ssyncset.done $0x0  }
0xa4: {  	s25 =	simm.s32 $0x1B8E;
	s24 =	sld [smem:$0x3FFE];
	[sflag:s23] =	ssyncadd.s32 $0xFFFFFFFF  }
0xa5: {  	s26 =	simm.s32 $execute0_lowered;
	[smem:$0x3FD2] =	sst s25  }
0xa6: {  	s5 =	sshll.u32 s26, $0x1;
	_ =	strace $0x80000046;
	[dreg:$0x1] =	wrdreg $0xFFFFFFFF  }
0xa7: {  	s28 =	simm.s32 $_size_execute0_lowered;
	s3 =	sadd.s32 s3, s5;
	[dreg:$0x0] =	wrdreg $0x0  }
0xa8: {  	s5 =	sshll.u32 s28, $0x1;
	[dreg:$0x2] =	wrdreg s3  }
0xa9: {  	[dreg:$0x3] =	wrdreg s5  }
0xaa: {  	[dreg:$0x4] =	wrdreg $0xC0  }
0xab: {  	_ =	task [dreg:s7], $0x5FFFF  }
0xac: {  	[dreg:$0x1] =	wrdreg $0xFFFFFFFF  }
0xad: {  	[dreg:$0x0] =	wrdreg $0x60  }
0xae: {  	[dreg:$0x2] =	wrdreg s24  }
0xaf: {  	[dreg:$0x3] =	wrdreg s2  }
0xb0: {  	[dreg:$0x4] =	wrdreg $0x9  }
0xb1: {  	_ =	task.clear_ibuf [dreg:s7], $0x5FFFF;
	_ =	strace $0x90000046  }
0xb2: {  	s29 =	simm.s32 $0x9;
	_ =	strace $0x80000048  }
0xb3: {  	_ =	swait.ge [sflag:s29], $0x1  }
0xb4: {  	[sflag:s29] =	ssyncadd.s32 $0xFFFFFFFF  }
0xb5: {  	_ =	strace $0x90000048  }
0xb6: {  	_ =	sfence  }
0xb7: {  	s30 =	sld [smem:$0x0];
	_ =	sdelay $0x2  }
0xb8: {  	s31 =	sshll.u32 s1, $0xD;
	s1 =	sshrl.u32 s1, $0x2  }
0xb9: {  	s3 =	sand.u32 $0x4000, s31;
	s1 =	sadd.s32 s1, s30  }
0xba: {  	s0 =	sor.u32 s3, s0;
	s1 =	sshll.u32 s1, $0x11  }
0xbb: {  	s0 =	sor.u32 s1, s0  }
0xbc: {  	s0 =	sadd.s32 $0x8F2B, s0  }
0xbd: {  	[sflag:s0] =	ssyncadd.remote.s32 $0x1  }
0xbe: {  	_ =	sfence.sel $0xFFFF  }
0xbf: {  	[dreg:$0x0] =	wrdreg $0xFFFFFFFF;
	(pc) =	sbr.abs _section_cstart, $3  }
0xc0: {  	[dreg:$0x1] =	wrdreg $0xFFFFFFFF  }
0xc1: {  	_ =	task.clear_ibuf [dreg:s7], $0x2FFFF;
	_ =	strace $0x9FFFFFFF  }
0xc2: {  	(tm) =	ssettm $0x7FFFFFFF  }
0xc3: {  	_ =	shalt  }
tec
execute0_lowered:
.L_overlay_start_1:
0x0: {  	(tag) =	ssettag $0x1  }
0x1: {  	s2 =	rddreg [dreg:$0x0];
	s1 =	srdreg.scid  }
0x2: {  	s0 =	stileid.u32;
	s3 =	rddreg [dreg:$0x1];
	s13 =	simm.s32 $0x1400  }
0x3: {  	s14 =	simm.s32 $0x2800;
	s15 =	simm.s32 $0x5000;
	s16 =	simm.s32 $0x7800  }
0x4: {  	s17 =	simm.s32 $0xF000;
	s18 =	simm.s32 $0xC800;
	s19 =	simm.s32 $0xA000  }
0x5: {  	s20 =	simm.s32 $0x80;
	s21 =	simm.s32 $0x400;
	s22 =	simm.s32 $0x0  }
0x6: {  	s6 =	sand.u32 $0x1, s1;
	s4 =	sshll.u32 s0, $0x1;
	s8 =	sshrl.u32 s0, $0x2  }
0x7: {  	s1 =	rddreg [dreg:$0x2];
	s5 =	sor.u32 s6, s4;
	s8 =	smul.u32 $0x14000, s8  }
0x8: {  	s4 =	simm.s32 $0x0;
	s7 =	smul.u32 $0x272, s5;
	s5 =	sshll.u32 s5, $0x7  }
0x9: {  	s31 =	ssub.s32 $0x2, s6;
	s6 =	sadd.s32 $0x600, s2;
	s30 =	sand.u32 $0x380, s5  }
0xa: {  	[smem:$0x7FF] =	sst s4;
	s9 =	sadd.s32 s7, s2;
	s7 =	sor.u32 s8, s30  }
0xb: {  	s10 =	sshrl.u32 s31, $0x1;
	_ =	strace $0x80000047;
	s7 =	sshrl.u32 s7, $0x3  }
0xc: {  	s5 =	sadd.s32 $0xC00, s2;
	s12 =	ssub.s32 s31, s10;
	s11 =	sadd.s32 s7, s2  }
0xd: {  	s8 =	sadd.s32 $0x6200, s9;
	s7 =	sadd.s32 $0x1200, s9;
	s9 =	sadd.s32 $0xB200, s11  }
0xe: {  	v0 =	vimm.f32 $0.0e+00;
	s10 =	sadd.s32 $0x15200, s11;
	s11 =	smax.u32 s12, $0x1;
	s12 =	simm.s32 $0x1  }
.LBB2_1:
0xf: {  	[tilespmem:s4], [sflag:$0x1] =	stream.linear.gather [hbm4b:s7+s4], $0x1390, $0x38;
	[tilespmem:$0xF080] =	vst v63  }
0x10: {  	_ =	swait.ge [sflag:s12], $0x1390  }
0x11: {  	[sflag:s12] =	ssyncset.done $0x0  }
0x12: {  	[sflag:s12] =	ssyncadd.s32 $0xFFFFEC70  }
0x13: {  	[tilespmem:s13], [sflag:$0x1] =	stream.linear.gather [hbm4b:s8+s4], $0x1390, $0x38;
	[tilespmem:$0xF080] =	vst v63  }
0x14: {  	_ =	swait.ge [sflag:s12], $0x1390  }
0x15: {  	[sflag:s12] =	ssyncset.done $0x0  }
0x16: {  	[sflag:s12] =	ssyncadd.s32 $0xFFFFEC70  }
0x17: {  	[tilespmem:s14], [sflag:$0x1] =	stream.linear.gather [hbm4b:s5+s4], $0x2800, $0x38;
	[tilespmem:$0xF080] =	vst v63  }
0x18: {  	_ =	swait.ge [sflag:s12], $0x2800  }
0x19: {  	[sflag:s12] =	ssyncset.done $0x0  }
0x1a: {  	[sflag:s12] =	ssyncadd.s32 $0xFFFFD800  }
0x1b: {  	[tilespmem:s15], [sflag:$0x1] =	stream.linear.gather [hbm4b:s6+s4], $0x2800, $0x38;
	[tilespmem:$0xF080] =	vst v63  }
0x1c: {  	_ =	swait.ge [sflag:s12], $0x2800  }
0x1d: {  	[sflag:s12] =	ssyncset.done $0x0  }
0x1e: {  	[sflag:s12] =	ssyncadd.s32 $0xFFFFD800  }
0x1f: {  	[tilespmem:s16], [sflag:$0x1] =	stream.linear.gather [hbm4b:s2+s4], $0x2800, $0x38;
	[tilespmem:$0xF080] =	vst v63  }
0x20: {  	_ =	swait.ge [sflag:s12], $0x2800  }
0x21: {  	[sflag:s12] =	ssyncset.done $0x0  }
0x22: {  	[sflag:s12] =	ssyncadd.s32 $0xFFFFD800  }
0x23: {  	[tilespmem:s17], [sflag:$0x1] =	stream.linear.gather [hbm4b:s3+s4], $0x80, $0x38;
	[tilespmem:$0xF080] =	vst v63  }
0x24: {  	_ =	swait.ge [sflag:s12], $0x80  }
0x25: {  	[sflag:s12] =	ssyncset.done $0x0  }
0x26: {  	s23 =	simm.s32 $0x40;
	s24 =	simm.s32 $0x0;
	[sflag:s12] =	ssyncadd.s32 $0xFFFFFF80  }
.LBB2_2:
0x27: {  	p0 =	sne.s32 s23, $0x9FC0;
	[tilespmem:s24+$0xA000] =	vst v0;
	s25 =	smov.u32 s23;
	s23 =	sadd.s32 $0x40, s23  }
.Ltmp0:
0x28: {  	[tilespmem:s24+$0xC800] =	vst v0;
	(pc) =	sbr.rel @p0 .LBB2_2-.Ltmp0, $2  }
0x29: {  	_ =	sdelay $0x2  }
0x2a: {  	s24 =	sshra.s32 s25, $0x2  }
0x2b: {  	[tilespmem:s24+$0xA000] =	vst v0  }
0x2c: {  	[tilespmem:s24+$0xC800] =	vst v0  }
0x2d: {  	s24 =	simm.s32 $0x0;
	v2 =	vld [tilespmem:$0xF000]  }
0x2e: {  	s23 =	simm.s32 $0x40;
	v1 =	vld [tilespmem:s24+$0x1400]  }
.LBB2_4:
0x2f: {  	p0 =	sne.s32 s23, $0x4E00;
	v3 =	vld [tilespmem:s24+$0x0];
	_ =	sdelay $0x6  }
0x30: {  	v4 =	vld.idx.msk [tilespmem:v1+s15+$0x0], $0xffff  }
0x31: {  	v5 =	vld.idx.msk [tilespmem:v3+s14+$0x0], $0xffff;
	_ =	sdelay $0x5  }
0x32: {  	v4 =	vadd.f32 v4, v5;
	_ =	sdelay $0x1  }
0x33: {  	v5 =	vmul.f32 $2.000000030e-01, v4  }
0x34: {  	vm0 =	vge.f32 v4, $0.0e+00  }
0x35: {  	v4 =	vsel vm0, v4, v5  }
0x36: {  	v4 =	vsub.f32 v4, v2;
	_ =	sdelay $0x1  }
0x37: {  	v4 =	vmul.f32 $1.442695020e+00, v4;
	_ =	sdelay $0x1  }
0x38: {  	(erf) = vpow2.f32 v4;
	_ =	sdelay $0x3  }
0x39: {  	v3 =	vld.idx.msk [tilespmem:v3+s16+$0x0], $0xffff;
	_ =	sdelay $0x4  }
.Ltmp1:
0x3a: {  	v4 =	vpop (erf);
	(pc) =	sbr.rel @p0 .LBB2_4-.Ltmp1, $4  }
0x3b: {  	v3 =	vmul.f32 v4, v3  }
0x3c: {  	[tilespmem:v1+s18+$0x0] =	vst.idx.add.f32.msk $0xffff, v4  }
0x3d: {  	s24 =	sshra.s32 s23, $0x2;
	[tilespmem:v1+s19+$0x0] =	vst.idx.add.f32.msk $0xffff, v3  }
0x3e: {  	s23 =	sadd.s32 $0x40, s23;
	v1 =	vld [tilespmem:s24+$0x1400]  }
0x3f: {  	_ = 	snop  }
0x40: {  	v3 =	vld [tilespmem:s24+$0x0];
	_ =	sdelay $0x6  }
0x41: {  	v4 =	vld.idx.msk [tilespmem:v1+s15+$0x0], $0xffff  }
0x42: {  	v5 =	vld.idx.msk [tilespmem:v3+s14+$0x0], $0xffff;
	_ =	sdelay $0x4  }
0x43: {  	v4 =	vadd.f32 v4, v5;
	_ =	sdelay $0x1  }
0x44: {  	v5 =	vmul.f32 $2.000000030e-01, v4  }
0x45: {  	vm0 =	vge.f32 v4, $0.0e+00  }
0x46: {  	v4 =	vsel vm0, v4, v5  }
0x47: {  	v2 =	vsub.f32 v4, v2;
	_ =	sdelay $0x1  }
0x48: {  	v2 =	vmul.f32 $1.442695020e+00, v2;
	_ =	sdelay $0x1  }
0x49: {  	(erf) = vpow2.f32 v2;
	_ =	sdelay $0x4  }
0x4a: {  	v2 =	vld.idx.msk [tilespmem:v3+s16+$0x0], $0xffff;
	_ =	sdelay $0x3  }
0x4b: {  	v3 =	vpop (erf)  }
0x4c: {  	v2 =	vmul.f32 v3, v2  }
0x4d: {  	[tilespmem:v1+s18+$0x0] =	vst.idx.add.f32.msk $0xffff, v3  }
0x4e: {  	[tilespmem:v1+s19+$0x0] =	vst.idx.add.f32.msk $0xffff, v2  }
0x4f: {  	[hbm4b:s9+s20] =	stream.strided.scatter [tilespmem:s19], [sflag:$0x1], $0x2800, s21, s20, $0x38;
	[tilespmem:$0xF080] =	vst v63  }
0x50: {  	s22 =	sadd.s32 $0x1, s22;
	_ =	swait.ge [sflag:s12], $0x2800  }
0x51: {  	p0 =	sne.s32 s22, s11;
	[sflag:s12] =	ssyncset.done $0x0  }
.Ltmp2:
0x52: {  	[sflag:s12] =	ssyncadd.s32 $0xFFFFD800;
	(pc) =	sbr.rel @p0 .LBB2_1-.Ltmp2, $4  }
0x53: {  	[hbm4b:s10+s20] =	stream.strided.scatter [tilespmem:s18], [sflag:$0x1], $0x2800, s21, s20, $0x38;
	[tilespmem:$0xF080] =	vst v63  }
0x54: {  	_ =	swait.ge [sflag:s12], $0x2800  }
0x55: {  	[sflag:s12] =	ssyncset.done $0x0  }
0x56: {  	[sflag:s12] =	ssyncadd.s32 $0xFFFFD800  }
0x57: {  	_ =	sfence.sel $0x180000  }
0x58: {  	[bflag:$0x0] =	sbarrier.arrive $0xFFFF  }
0x59: {  	p0 =	sne.s32 s0, $0x0;
	_ =	strace $0x90000047  }
0x5a: {  	s0 =	sadd.s32 @!p0 $0x100000, s1;
	[bflag:$0x2] =	sbarrier.arrive $0xFFFF  }
0x5b: {  	[sflag:s0] =	ssyncadd.tile.s32 @!p0 $0x1;
	_ =	shalt  }
.Lfunc_end2:
_tile_overlayer_lowered:
.L_overlay_start_2:
0x5c: {  	(tag) =	ssettag $0x2  }
0x5d: {  	s0 =	rddreg [dreg:$0x0];
	s2 =	stileid.u32  }
0x5e: {  	s1 =	rddreg [dreg:$0x1];
	p0 =	sne.s32 s2, $0x0  }
0x5f: {  	s3 =	rddreg [dreg:$0x2];
	[bflag:$0x3] =	sbarrier.arrive $0xFFFF;
	s2 =	simm.s32 @!p0 $0x1C01  }
0x60: {  	[timem:s3], [sflag:s2] =	dma.local @!p0 [hbm:s0], s1  }
0x61: {  	s0 =	simm.s32 @!p0 $0x1  }
0x62: {  	_ =	swait.ge @!p0 [sflag:s0], s1  }
0x63: {  	s1 =	ssub.s32 @!p0 $0x0, s1;
	[sflag:s0] =	ssyncset.done @!p0 $0x0  }
0x64: {  	[sflag:s0] =	ssyncadd.s32 @!p0 s1  }
0x65: {  	[bflag:$0x3] =	sbarrier.arrive $0xFFFF  }
0x66: {  	_ =	shalt  }

</sc_bundles>
